<compile_context>
chip_gen: v7x
topology: tpu7x:2x2x1
jax: 0.10.2.dev20260603
libtpu: 0.0.44.dev20260713+nightly
codegen_flags: <defaults>
</compile_context>

<pallas_src>
import functools

import jax
import jax.numpy as jnp
from jax import lax
from jax.experimental import pallas as pl
from jax.experimental.pallas import tpu as pltpu
from jax.experimental.pallas import tpu_sc as plsc

_EPS = 1e-5


def _logits(x, w1, b1, g, be, rm, rv, w2, b2):
    h = jnp.dot(x[:, 0:256], w1[0:256, :], preferred_element_type=jnp.float32)
    for k0 in range(256, x.shape[1], 256):
        h = h + jnp.dot(x[:, k0:k0 + 256], w1[k0:k0 + 256, :],
                        preferred_element_type=jnp.float32)
    h = h + b1
    h = (h - rm) / jnp.sqrt(rv + _EPS) * g + be
    h = jnp.maximum(h, 0.0)
    return jnp.dot(h, w2, preferred_element_type=jnp.float32) + b2


def _logits_body(x_ref, w1_ref, b1_ref, g_ref, be_ref, rm_ref, rv_ref, w2_ref,
                 b2_ref, out_ref):
    out_ref[...] = _logits(x_ref[...], w1_ref[...], b1_ref[...], g_ref[...],
                           be_ref[...], rm_ref[...], rv_ref[...], w2_ref[...],
                           b2_ref[...])


def _fused_body(x_ref, w1_ref, b1_ref, g_ref, be_ref, rm_ref, rv_ref, w2_ref,
                b2_ref, gates_ref, idx_ref):
    logits = _logits(x_ref[...], w1_ref[...], b1_ref[...], g_ref[...],
                     be_ref[...], rm_ref[...], rv_ref[...], w2_ref[...],
                     b2_ref[...])
    n_e = logits.shape[1]
    iota_e = jax.lax.broadcasted_iota(jnp.int32, logits.shape, 1)
    max1 = jnp.max(logits, axis=1, keepdims=True)
    idx1 = jnp.min(jnp.where(logits == max1, iota_e, n_e), axis=1, keepdims=True)
    masked = jnp.where(iota_e == idx1, -1e30, logits)
    max2 = jnp.max(masked, axis=1, keepdims=True)
    idx2 = jnp.min(jnp.where(masked == max2, iota_e, n_e), axis=1, keepdims=True)
    r = jnp.exp(max2 - max1)
    den = 1.0 + r
    g1 = 1.0 / den
    g2 = r / den
    gates_ref[...] = (jnp.where(iota_e == idx1, g1, 0.0)
                      + jnp.where(iota_e == idx2, g2, 0.0))
    idx_ref[...] = jnp.concatenate([idx1, idx2], axis=1).astype(jnp.int32)


def _compute_fused(x, W1t, b1, gamma, beta, run_mean, run_var, W2t, b2,
                   n_rows, row_off):
    d = x.shape[1]
    hidden = W1t.shape[1]
    n_e = W2t.shape[1]
    t = 512
    off_tiles = row_off // t
    vec = pl.BlockSpec((1, hidden), lambda i: (0, 0))
    return pl.pallas_call(
        _fused_body,
        grid=(n_rows // t,),
        in_specs=[
            pl.BlockSpec((t, d), lambda i: (i + off_tiles, 0)),
            pl.BlockSpec((d, hidden), lambda i: (0, 0)),
            vec, vec, vec, vec, vec,
            pl.BlockSpec((hidden, n_e), lambda i: (0, 0)),
            pl.BlockSpec((1, n_e), lambda i: (0, 0)),
        ],
        out_specs=[
            pl.BlockSpec((t, n_e), lambda i: (i, 0)),
            pl.BlockSpec((t, 2), lambda i: (i, 0)),
        ],
        out_shape=[
            jax.ShapeDtypeStruct((n_rows, n_e), jnp.float32),
            jax.ShapeDtypeStruct((n_rows, 2), jnp.int32),
        ],
    )(x, W1t, b1, gamma, beta, run_mean, run_var, W2t, b2)


def _compute_logits(x, W1t, b1, gamma, beta, run_mean, run_var, W2t, b2,
                    n_rows, row_off):
    d = x.shape[1]
    hidden = W1t.shape[1]
    n_e = W2t.shape[1]
    t = 512
    off_tiles = row_off // t
    vec = pl.BlockSpec((1, hidden), lambda i: (0, 0))
    return pl.pallas_call(
        _logits_body,
        grid=(n_rows // t,),
        in_specs=[
            pl.BlockSpec((t, d), lambda i: (i + off_tiles, 0)),
            pl.BlockSpec((d, hidden), lambda i: (0, 0)),
            vec, vec, vec, vec, vec,
            pl.BlockSpec((hidden, n_e), lambda i: (0, 0)),
            pl.BlockSpec((1, n_e), lambda i: (0, 0)),
        ],
        out_specs=pl.BlockSpec((t, n_e), lambda i: (i, 0)),
        out_shape=jax.ShapeDtypeStruct((n_rows, n_e), jnp.float32),
    )(x, W1t, b1, gamma, beta, run_mean, run_var, W2t, b2)


def _make_router(n, n_e):
    info = plsc.get_sparse_core_info()
    nw = info.num_cores * info.num_subcores
    t_w = n // nw
    n_groups = t_w // 16
    mesh = plsc.VectorSubcoreMesh(core_axis_name="c", subcore_axis_name="s")

    @functools.partial(
        pl.kernel, mesh=mesh,
        compiler_params=pltpu.CompilerParams(needs_layout_passes=False),
        out_type=[jax.ShapeDtypeStruct((n, n_e), jnp.float32),
                  jax.ShapeDtypeStruct((n, 2), jnp.int32)],
        scratch_types=[pltpu.VMEM((t_w, n_e), jnp.float32),
                       pltpu.VMEM((t_w, n_e), jnp.float32),
                       pltpu.VMEM((t_w, 2), jnp.int32)],
    )
    def route(logits_hbm, gates_hbm, idx_hbm, lg_v, gt_v, ix_v):
        wid = lax.axis_index("s") * info.num_cores + lax.axis_index("c")
        base = wid * t_w
        pltpu.sync_copy(logits_hbm.at[pl.ds(base, t_w)], lg_v)

        def group(g, carry):
            tvec = lax.iota(jnp.int32, 16) + g * 16
            neg = jnp.full((16,), -3.4e38, jnp.float32)
            zero_i = jnp.zeros((16,), jnp.int32)
            max1, max2 = neg, neg
            idx1, idx2 = zero_i, zero_i
            def scan_expert(e, carry):
                max1, idx1, max2, idx2 = carry
                evec = jnp.full((16,), 0, jnp.int32) + e
                col = plsc.load_gather(lg_v, [tvec, evec])
                beats1 = col > max1
                beats2 = col > max2
                max2 = jnp.where(beats1, max1, jnp.where(beats2, col, max2))
                idx2 = jnp.where(beats1, idx1, jnp.where(beats2, evec, idx2))
                max1 = jnp.where(beats1, col, max1)
                idx1 = jnp.where(beats1, evec, idx1)
                return max1, idx1, max2, idx2

            max1, idx1, max2, idx2 = lax.fori_loop(
                0, n_e, scan_expert, (max1, idx1, max2, idx2))
            r = jnp.exp(max2 - max1)
            den = 1.0 + r
            g1 = 1.0 / den
            g2 = r / den
            fzero = jnp.zeros((16,), jnp.float32)

            def write_expert(e, carry):
                evec = jnp.full((16,), 0, jnp.int32) + e
                colg = jnp.where(idx1 == evec, g1,
                                 jnp.where(idx2 == evec, g2, fzero))
                plsc.store_scatter(gt_v, [tvec, evec], colg)
                return carry

            lax.fori_loop(0, n_e, write_expert, 0)
            plsc.store_scatter(ix_v, [tvec, zero_i], idx1)
            plsc.store_scatter(ix_v, [tvec, zero_i + 1], idx2)
            return carry

        lax.fori_loop(0, n_groups, group, 0)
        pltpu.sync_copy(gt_v, gates_hbm.at[pl.ds(base, t_w)])
        pltpu.sync_copy(ix_v, idx_hbm.at[pl.ds(base, t_w)])

    return route


_SC_FRAC_NUM, _SC_FRAC_DEN = 1, 2


@jax.jit
def kernel(x, W1, b1, gamma, beta, run_mean, run_var, W2, b2):
    n = x.shape[0]
    n_e = W2.shape[0]
    w1t = W1.T
    w2t = W2.T
    args = (w1t, b1[None, :], gamma[None, :], beta[None, :], run_mean[None, :],
            run_var[None, :], w2t, b2[None, :])
    n0 = n * _SC_FRAC_NUM // _SC_FRAC_DEN
    n1 = n - n0
    logits = _compute_logits(x, *args, n_rows=n0, row_off=0)
    g0, i0 = _make_router(n0, n_e)(logits)
    g1, i1 = _compute_fused(x, *args, n_rows=n1, row_off=n0)
    return (jnp.concatenate([g0, g1], axis=0),
            jnp.concatenate([i0, i1], axis=0))

# --- scband reference (transcript-rebuilt; emitter-appended) ---
"""Pipeline reference for scband-gate-8650064134723 (READ-ONLY COPY).

The authoritative reference and input builder live on the scoring server;
editing this copy changes nothing except your own understanding.
"""

import jax, jax.numpy as jnp
import numpy as np

N_TOKENS = 16384
D_MODEL = 2048
HIDDEN = 64
N_EXPERTS = 16
TOP_K = 2
EPS = 1e-5


def setup_inputs(seed: int = 0) -> dict:
    key = jax.random.key(seed)
    k_x, k_w1, k_b1, k_w2, k_b2 = jax.random.split(key, 5)
    x = jax.random.normal(k_x, (N_TOKENS, D_MODEL), dtype=jnp.float32)
    # fc1: Linear(D_MODEL, HIDDEN)
    lim1 = 1.0 / np.sqrt(D_MODEL)
    W1 = jax.random.uniform(k_w1, (HIDDEN, D_MODEL), minval=-lim1, maxval=lim1, dtype=jnp.float32)
    b1 = jax.random.uniform(k_b1, (HIDDEN,), minval=-lim1, maxval=lim1, dtype=jnp.float32)
    # fc2: Linear(HIDDEN, N_EXPERTS)
    lim2 = 1.0 / np.sqrt(HIDDEN)
    W2 = jax.random.uniform(k_w2, (N_EXPERTS, HIDDEN), minval=-lim2, maxval=lim2, dtype=jnp.float32)
    b2 = jax.random.uniform(k_b2, (N_EXPERTS,), minval=-lim2, maxval=lim2, dtype=jnp.float32)
    # BatchNorm1d(HIDDEN) params + running stats (eval mode)
    gamma = jnp.ones((HIDDEN,), dtype=jnp.float32)
    beta = jnp.zeros((HIDDEN,), dtype=jnp.float32)
    run_mean = jnp.zeros((HIDDEN,), dtype=jnp.float32)
    run_var = jnp.ones((HIDDEN,), dtype=jnp.float32)
    return {"x": x, "W1": W1, "b1": b1, "gamma": gamma, "beta": beta,
            "run_mean": run_mean, "run_var": run_var, "W2": W2, "b2": b2}


def reference(x, W1, b1, gamma, beta, run_mean, run_var, W2, b2):
    # fc1
    h = x @ W1.T + b1
    # BatchNorm1d in eval mode (running stats)
    h = (h - run_mean) / jnp.sqrt(run_var + EPS) * gamma + beta
    # ReLU
    h = jax.nn.relu(h)
    # Dropout is identity in eval mode
    # fc2 -> gate logits (no training noise in eval mode)
    gate_logits = h @ W2.T + b2
    # top-k over experts
    top_k_logits, top_k_indices = jax.lax.top_k(gate_logits, TOP_K)
    top_k_gates = jax.nn.softmax(top_k_logits, axis=-1)
    # scatter the normalized gates back into a dense [N, E] tensor
    rows = jnp.arange(gate_logits.shape[0])[:, None]
    gates = jnp.zeros_like(gate_logits).at[rows, top_k_indices].set(top_k_gates)
    return gates, top_k_indices

if __name__ == "__main__":
    import jax
    _d = setup_inputs()
    print(jax.jit(kernel)(*tuple(_d.values())))

</pallas_src>

<mosaic_0001>
#map = affine_map<(d0, d1) -> (0, 0)>
module attributes {stable_mosaic.version = 14 : i64} {
  func.func @route(%arg0: i32, %arg1: i32, %arg2: memref<8192x16xf32, #tpu.memory_space<hbm>>, %arg3: memref<8192x16xf32, #tpu.memory_space<hbm>>, %arg4: memref<8192x2xi32, #tpu.memory_space<hbm>>, %arg5: memref<256x16xf32, #tpu.memory_space<vmem>>, %arg6: memref<256x16xf32, #tpu.memory_space<vmem>>, %arg7: memref<256x2xi32, #tpu.memory_space<vmem>>) attributes {dimension_semantics = [#tpu.dimension_semantics<core_parallel>, #tpu.dimension_semantics<subcore_parallel>], iteration_bounds = array<i64: 2, 16>, scalar_prefetch = 0 : i64, scratch_operands = 3 : i64, tpu.core_type = #tpu.core_type<sc_vector_subcore>, window_params = [{transform_indices = #map}, {transform_indices = #map}, {transform_indices = #map}]} {
    %mul3A = arith.constant 2 : i32
    %mul3A_0 = arith.muli %arg1, %mul3A : i32
    %add3A = arith.addi %mul3A_0, %arg0 : i32
    %mul3A_1 = arith.constant 256 : i32
    %mul3A_2 = arith.muli %add3A, %mul3A_1 : i32
    "tpu.region"() ({
      %run_scoped3A = tpu.sem_alloc : memref<!tpu.dma_semaphore, #tpu.memory_space<semaphore_mem>>
      %dma_start3A = arith.constant 0 : i32
      %dma_start3A_8 = tpu.memref_slice %arg2[%mul3A_2, %dma_start3A] : memref<8192x16xf32, #tpu.memory_space<hbm>> -> memref<256x16xf32, #tpu.memory_space<hbm>>
      %dma_start3A_9 = arith.constant 0 : i32
      %dma_start3A_10 = tpu.memref_slice %arg2[%mul3A_2, %dma_start3A_9] : memref<8192x16xf32, #tpu.memory_space<hbm>> -> memref<256x16xf32, #tpu.memory_space<hbm>>
      tpu.enqueue_dma source(%dma_start3A_10 : memref<256x16xf32, #tpu.memory_space<hbm>>) target(%arg5 : memref<256x16xf32, #tpu.memory_space<vmem>>) target_semaphore(%run_scoped3A : memref<!tpu.dma_semaphore, #tpu.memory_space<semaphore_mem>>)
      %dma_wait3A = arith.constant 0 : i32
      %dma_wait3A_11 = tpu.memref_slice %arg2[%mul3A_2, %dma_wait3A] : memref<8192x16xf32, #tpu.memory_space<hbm>> -> memref<256x16xf32, #tpu.memory_space<hbm>>
      %dma_wait3A_12 = arith.constant 0 : i32
      %dma_wait3A_13 = tpu.memref_slice %arg2[%mul3A_2, %dma_wait3A_12] : memref<8192x16xf32, #tpu.memory_space<hbm>> -> memref<256x16xf32, #tpu.memory_space<hbm>>
      tpu.wait_dma2 semaphore(%run_scoped3A : memref<!tpu.dma_semaphore, #tpu.memory_space<semaphore_mem>>) src(%dma_wait3A_13 : memref<256x16xf32, #tpu.memory_space<hbm>>) dst(%arg5 : memref<256x16xf32, #tpu.memory_space<vmem>>)
      tpu.yield
    }) : () -> ()
    %scan3A = arith.constant 0 : i32
    %scan3A_3 = arith.constant 0 : i32
    %scan3A_4 = arith.constant 16 : i32
    %scan3A_5 = arith.addi %scan3A_3, %scan3A_4 : i32
    %scan3A_6 = arith.constant 1 : i32
    scf.for %scan3A_8 = %scan3A_3 to %scan3A_5 step %scan3A_6  : i32 {
      %iota3A = tpu.iota {dimensions = array<i32: 0>} : vector<16xi32>
      %mul3A_9 = arith.constant 16 : i32
      %mul3A_10 = arith.muli %scan3A_8, %mul3A_9 : i32
      %add3A_11 = vector.broadcast %mul3A_10 : i32 to vector<16xi32>
      %add3A_12 = arith.addi %iota3A, %add3A_11 : vector<16xi32>
      %broadcast_in_dim3A = arith.constant -3.400000e+38 : f32
      %broadcast_in_dim3A_13 = vector.broadcast %broadcast_in_dim3A : f32 to vector<16xf32>
      %broadcast_in_dim3A_14 = arith.constant 0 : i32
      %broadcast_in_dim3A_15 = vector.broadcast %broadcast_in_dim3A_14 : i32 to vector<16xi32>
      %scan3A_16 = arith.constant 0 : i32
      %scan3A_17 = arith.constant 16 : i32
      %scan3A_18 = arith.addi %scan3A_16, %scan3A_17 : i32
      %scan3A_19 = arith.constant 1 : i32
      %scan3A_20:4 = scf.for %scan3A_39 = %scan3A_16 to %scan3A_18 step %scan3A_19 iter_args(%scan3A_40 = %broadcast_in_dim3A_13, %scan3A_41 = %broadcast_in_dim3A_15, %scan3A_42 = %broadcast_in_dim3A_13, %scan3A_43 = %broadcast_in_dim3A_15) -> (vector<16xf32>, vector<16xi32>, vector<16xf32>, vector<16xi32>)  : i32 {
        %broadcast_in_dim3A_44 = arith.constant 0 : i32
        %broadcast_in_dim3A_45 = vector.broadcast %broadcast_in_dim3A_44 : i32 to vector<16xi32>
        %add3A_46 = vector.broadcast %scan3A_39 : i32 to vector<16xi32>
        %add3A_47 = arith.addi %broadcast_in_dim3A_45, %add3A_46 : vector<16xi32>
        %gather3A = tpu.vector_load_idx %arg5[%add3A_12, %add3A_47] : memref<256x16xf32, #tpu.memory_space<vmem>>[vector<16xi32>, vector<16xi32>], vector<16xf32>,
        %gt3A = arith.cmpf ogt, %gather3A, %scan3A_40 : vector<16xf32>
        %gt3A_48 = arith.cmpf ogt, %gather3A, %scan3A_42 : vector<16xf32>
        %select_n3A = arith.select %gt3A_48, %gather3A, %scan3A_42 : vector<16xi1>, vector<16xf32>
        %select_n3A_49 = arith.select %gt3A, %scan3A_40, %select_n3A : vector<16xi1>, vector<16xf32>
        %select_n3A_50 = arith.select %gt3A_48, %add3A_47, %scan3A_43 : vector<16xi1>, vector<16xi32>
        %select_n3A_51 = arith.select %gt3A, %scan3A_41, %select_n3A_50 : vector<16xi1>, vector<16xi32>
        %select_n3A_52 = arith.select %gt3A, %gather3A, %scan3A_40 : vector<16xi1>, vector<16xf32>
        %select_n3A_53 = arith.select %gt3A, %add3A_47, %scan3A_41 : vector<16xi1>, vector<16xi32>
        scf.yield %select_n3A_52, %select_n3A_53, %select_n3A_49, %select_n3A_51 : vector<16xf32>, vector<16xi32>, vector<16xf32>, vector<16xi32>
      }
      %scan3A_21 = arith.constant 16 : i32
      %sub3A = arith.subf %scan3A_20#2, %scan3A_20#0 : vector<16xf32>
      %exp3A = math.exp %sub3A : vector<16xf32>
      %add3A_22 = arith.constant 1.000000e+00 : f32
      %add3A_23 = vector.broadcast %add3A_22 : f32 to vector<16xf32>
      %add3A_24 = arith.addf %add3A_23, %exp3A : vector<16xf32>
      %div3A = arith.constant 1.000000e+00 : f32
      %div3A_25 = vector.broadcast %div3A : f32 to vector<16xf32>
      %div3A_26 = arith.divf %div3A_25, %add3A_24 : vector<16xf32>
      %div3A_27 = arith.divf %exp3A, %add3A_24 : vector<16xf32>
      %broadcast_in_dim3A_28 = arith.constant 0.000000e+00 : f32
      %broadcast_in_dim3A_29 = vector.broadcast %broadcast_in_dim3A_28 : f32 to vector<16xf32>
      %scan3A_30 = arith.constant 0 : i32
      %scan3A_31 = arith.constant 0 : i32
      %scan3A_32 = arith.constant 16 : i32
      %scan3A_33 = arith.addi %scan3A_31, %scan3A_32 : i32
      %scan3A_34 = arith.constant 1 : i32
      scf.for %scan3A_39 = %scan3A_31 to %scan3A_33 step %scan3A_34  : i32 {
        %broadcast_in_dim3A_40 = arith.constant 0 : i32
        %broadcast_in_dim3A_41 = vector.broadcast %broadcast_in_dim3A_40 : i32 to vector<16xi32>
        %add3A_42 = vector.broadcast %scan3A_39 : i32 to vector<16xi32>
        %add3A_43 = arith.addi %broadcast_in_dim3A_41, %add3A_42 : vector<16xi32>
        %eq3A = arith.cmpi eq, %scan3A_20#1, %add3A_43 : vector<16xi32>
        %eq3A_44 = arith.cmpi eq, %scan3A_20#3, %add3A_43 : vector<16xi32>
        %select_n3A = arith.select %eq3A_44, %div3A_27, %broadcast_in_dim3A_29 : vector<16xi1>, vector<16xf32>
        %select_n3A_45 = arith.select %eq3A, %div3A_26, %select_n3A : vector<16xi1>, vector<16xf32>
        tpu.vector_store_idx %arg6[%add3A_12, %add3A_43], %select_n3A_45 : memref<256x16xf32, #tpu.memory_space<vmem>>[vector<16xi32>, vector<16xi32>], vector<16xf32>,
      }
      %scan3A_35 = arith.constant 16 : i32
      tpu.vector_store_idx %arg7[%add3A_12, %broadcast_in_dim3A_15], %scan3A_20#1 : memref<256x2xi32, #tpu.memory_space<vmem>>[vector<16xi32>, vector<16xi32>], vector<16xi32>,
      %add3A_36 = arith.constant 1 : i32
      %add3A_37 = vector.broadcast %add3A_36 : i32 to vector<16xi32>
      %add3A_38 = arith.addi %broadcast_in_dim3A_15, %add3A_37 : vector<16xi32>
      tpu.vector_store_idx %arg7[%add3A_12, %add3A_38], %scan3A_20#3 : memref<256x2xi32, #tpu.memory_space<vmem>>[vector<16xi32>, vector<16xi32>], vector<16xi32>,
    }
    %scan3A_7 = arith.constant 16 : i32
    "tpu.region"() ({
      %run_scoped3A = tpu.sem_alloc : memref<!tpu.dma_semaphore, #tpu.memory_space<semaphore_mem>>
      %dma_start3A = arith.constant 0 : i32
      %dma_start3A_8 = tpu.memref_slice %arg3[%mul3A_2, %dma_start3A] : memref<8192x16xf32, #tpu.memory_space<hbm>> -> memref<256x16xf32, #tpu.memory_space<hbm>>
      %dma_start3A_9 = arith.constant 0 : i32
      %dma_start3A_10 = tpu.memref_slice %arg3[%mul3A_2, %dma_start3A_9] : memref<8192x16xf32, #tpu.memory_space<hbm>> -> memref<256x16xf32, #tpu.memory_space<hbm>>
      tpu.enqueue_dma source(%arg6 : memref<256x16xf32, #tpu.memory_space<vmem>>) target(%dma_start3A_10 : memref<256x16xf32, #tpu.memory_space<hbm>>) target_semaphore(%run_scoped3A : memref<!tpu.dma_semaphore, #tpu.memory_space<semaphore_mem>>)
      %dma_wait3A = arith.constant 0 : i32
      %dma_wait3A_11 = tpu.memref_slice %arg3[%mul3A_2, %dma_wait3A] : memref<8192x16xf32, #tpu.memory_space<hbm>> -> memref<256x16xf32, #tpu.memory_space<hbm>>
      %dma_wait3A_12 = arith.constant 0 : i32
      %dma_wait3A_13 = tpu.memref_slice %arg3[%mul3A_2, %dma_wait3A_12] : memref<8192x16xf32, #tpu.memory_space<hbm>> -> memref<256x16xf32, #tpu.memory_space<hbm>>
      tpu.wait_dma2 semaphore(%run_scoped3A : memref<!tpu.dma_semaphore, #tpu.memory_space<semaphore_mem>>) src(%arg6 : memref<256x16xf32, #tpu.memory_space<vmem>>) dst(%dma_wait3A_13 : memref<256x16xf32, #tpu.memory_space<hbm>>)
      tpu.yield
    }) : () -> ()
    "tpu.region"() ({
      %run_scoped3A = tpu.sem_alloc : memref<!tpu.dma_semaphore, #tpu.memory_space<semaphore_mem>>
      %dma_start3A = arith.constant 0 : i32
      %dma_start3A_8 = tpu.memref_slice %arg4[%mul3A_2, %dma_start3A] : memref<8192x2xi32, #tpu.memory_space<hbm>> -> memref<256x2xi32, #tpu.memory_space<hbm>>
      %dma_start3A_9 = arith.constant 0 : i32
      %dma_start3A_10 = tpu.memref_slice %arg4[%mul3A_2, %dma_start3A_9] : memref<8192x2xi32, #tpu.memory_space<hbm>> -> memref<256x2xi32, #tpu.memory_space<hbm>>
      tpu.enqueue_dma source(%arg7 : memref<256x2xi32, #tpu.memory_space<vmem>>) target(%dma_start3A_10 : memref<256x2xi32, #tpu.memory_space<hbm>>) target_semaphore(%run_scoped3A : memref<!tpu.dma_semaphore, #tpu.memory_space<semaphore_mem>>)
      %dma_wait3A = arith.constant 0 : i32
      %dma_wait3A_11 = tpu.memref_slice %arg4[%mul3A_2, %dma_wait3A] : memref<8192x2xi32, #tpu.memory_space<hbm>> -> memref<256x2xi32, #tpu.memory_space<hbm>>
      %dma_wait3A_12 = arith.constant 0 : i32
      %dma_wait3A_13 = tpu.memref_slice %arg4[%mul3A_2, %dma_wait3A_12] : memref<8192x2xi32, #tpu.memory_space<hbm>> -> memref<256x2xi32, #tpu.memory_space<hbm>>
      tpu.wait_dma2 semaphore(%run_scoped3A : memref<!tpu.dma_semaphore, #tpu.memory_space<semaphore_mem>>) src(%arg7 : memref<256x2xi32, #tpu.memory_space<vmem>>) dst(%dma_wait3A_13 : memref<256x2xi32, #tpu.memory_space<hbm>>)
      tpu.yield
    }) : () -> ()
    return
  }
}

module attributes {stable_mosaic.version = 14 : i64} {
  func.func @_logits_body(%arg0: i32, %arg1: memref<512x2048xf32, #tpu.memory_space<vmem>>, %arg2: memref<2048x64xf32, #tpu.memory_space<vmem>>, %arg3: memref<1x64xf32, #tpu.memory_space<vmem>>, %arg4: memref<1x64xf32, #tpu.memory_space<vmem>>, %arg5: memref<1x64xf32, #tpu.memory_space<vmem>>, %arg6: memref<1x64xf32, #tpu.memory_space<vmem>>, %arg7: memref<1x64xf32, #tpu.memory_space<vmem>>, %arg8: memref<64x16xf32, #tpu.memory_space<vmem>>, %arg9: memref<1x16xf32, #tpu.memory_space<vmem>>, %arg10: memref<512x16xf32, #tpu.memory_space<vmem>>) attributes {dimension_semantics = [#tpu.dimension_semantics<arbitrary>], iteration_bounds = array<i64: 16>, scalar_prefetch = 0 : i64, scratch_operands = 0 : i64, tpu.core_type = #tpu.core_type<tc>, window_params = [{transform_indices = @transform_0, window_bounds = array<i64: 512, 2048>}, {pipeline_mode = #tpu.pipeline_mode<synchronous>, transform_indices = @transform_1, window_bounds = array<i64: 2048, 64>}, {pipeline_mode = #tpu.pipeline_mode<synchronous>, transform_indices = @transform_2, window_bounds = array<i64: 1, 64>}, {pipeline_mode = #tpu.pipeline_mode<synchronous>, transform_indices = @transform_3, window_bounds = array<i64: 1, 64>}, {pipeline_mode = #tpu.pipeline_mode<synchronous>, transform_indices = @transform_4, window_bounds = array<i64: 1, 64>}, {pipeline_mode = #tpu.pipeline_mode<synchronous>, transform_indices = @transform_5, window_bounds = array<i64: 1, 64>}, {pipeline_mode = #tpu.pipeline_mode<synchronous>, transform_indices = @transform_6, window_bounds = array<i64: 1, 64>}, {pipeline_mode = #tpu.pipeline_mode<synchronous>, transform_indices = @transform_7, window_bounds = array<i64: 64, 16>}, {pipeline_mode = #tpu.pipeline_mode<synchronous>, transform_indices = @transform_8, window_bounds = array<i64: 1, 16>}, {transform_indices = @transform_9, window_bounds = array<i64: 512, 16>}]} {
    %get3A = arith.constant 0 : index
    %get3A_0 = arith.constant 0 : index
    %get3A_1 = vector.load %arg1[%get3A, %get3A_0] : memref<512x2048xf32, #tpu.memory_space<vmem>>, vector<512x2048xf32>
    %get3A_2 = arith.constant 0 : index
    %get3A_3 = arith.constant 0 : index
    %get3A_4 = vector.load %arg2[%get3A_2, %get3A_3] : memref<2048x64xf32, #tpu.memory_space<vmem>>, vector<2048x64xf32>
    %get3A_5 = arith.constant 0 : index
    %get3A_6 = arith.constant 0 : index
    %get3A_7 = vector.load %arg3[%get3A_5, %get3A_6] : memref<1x64xf32, #tpu.memory_space<vmem>>, vector<1x64xf32>
    %get3A_8 = arith.constant 0 : index
    %get3A_9 = arith.constant 0 : index
    %get3A_10 = vector.load %arg4[%get3A_8, %get3A_9] : memref<1x64xf32, #tpu.memory_space<vmem>>, vector<1x64xf32>
    %get3A_11 = arith.constant 0 : index
    %get3A_12 = arith.constant 0 : index
    %get3A_13 = vector.load %arg5[%get3A_11, %get3A_12] : memref<1x64xf32, #tpu.memory_space<vmem>>, vector<1x64xf32>
    %get3A_14 = arith.constant 0 : index
    %get3A_15 = arith.constant 0 : index
    %get3A_16 = vector.load %arg6[%get3A_14, %get3A_15] : memref<1x64xf32, #tpu.memory_space<vmem>>, vector<1x64xf32>
    %get3A_17 = arith.constant 0 : index
    %get3A_18 = arith.constant 0 : index
    %get3A_19 = vector.load %arg7[%get3A_17, %get3A_18] : memref<1x64xf32, #tpu.memory_space<vmem>>, vector<1x64xf32>
    %get3A_20 = arith.constant 0 : index
    %get3A_21 = arith.constant 0 : index
    %get3A_22 = vector.load %arg8[%get3A_20, %get3A_21] : memref<64x16xf32, #tpu.memory_space<vmem>>, vector<64x16xf32>
    %get3A_23 = arith.constant 0 : index
    %get3A_24 = arith.constant 0 : index
    %get3A_25 = vector.load %arg9[%get3A_23, %get3A_24] : memref<1x16xf32, #tpu.memory_space<vmem>>, vector<1x16xf32>
    %slice3A = vector.extract_strided_slice %get3A_1 {offsets = [0, 0], sizes = [512, 256], strides = [1, 1]} : vector<512x2048xf32> to vector<512x256xf32>
    %slice3A_26 = vector.extract_strided_slice %get3A_4 {offsets = [0, 0], sizes = [256, 64], strides = [1, 1]} : vector<2048x64xf32> to vector<256x64xf32>
    %dot_general3A = arith.constant dense<0.000000e+00> : vector<512x64xf32>
    %dot_general3A_27 = tpu.matmul %slice3A, %slice3A_26, %dot_general3A {dimension_numbers = #tpu.dot_dimension_numbers<[1], [0], [0], [1], [0, 0, 1, 1], [], []>, transpose_lhs_hint = false} : vector<512x256xf32>, vector<256x64xf32>, vector<512x64xf32> -> vector<512x64xf32>
    %slice3A_28 = vector.extract_strided_slice %get3A_1 {offsets = [0, 256], sizes = [512, 256], strides = [1, 1]} : vector<512x2048xf32> to vector<512x256xf32>
    %slice3A_29 = vector.extract_strided_slice %get3A_4 {offsets = [256, 0], sizes = [256, 64], strides = [1, 1]} : vector<2048x64xf32> to vector<256x64xf32>
    %dot_general3A_30 = arith.constant dense<0.000000e+00> : vector<512x64xf32>
    %dot_general3A_31 = tpu.matmul %slice3A_28, %slice3A_29, %dot_general3A_30 {dimension_numbers = #tpu.dot_dimension_numbers<[1], [0], [0], [1], [0, 0, 1, 1], [], []>, transpose_lhs_hint = false} : vector<512x256xf32>, vector<256x64xf32>, vector<512x64xf32> -> vector<512x64xf32>
    %add3A = arith.addf %dot_general3A_27, %dot_general3A_31 : vector<512x64xf32>
    %slice3A_32 = vector.extract_strided_slice %get3A_1 {offsets = [0, 512], sizes = [512, 256], strides = [1, 1]} : vector<512x2048xf32> to vector<512x256xf32>
    %slice3A_33 = vector.extract_strided_slice %get3A_4 {offsets = [512, 0], sizes = [256, 64], strides = [1, 1]} : vector<2048x64xf32> to vector<256x64xf32>
    %dot_general3A_34 = arith.constant dense<0.000000e+00> : vector<512x64xf32>
    %dot_general3A_35 = tpu.matmul %slice3A_32, %slice3A_33, %dot_general3A_34 {dimension_numbers = #tpu.dot_dimension_numbers<[1], [0], [0], [1], [0, 0, 1, 1], [], []>, transpose_lhs_hint = false} : vector<512x256xf32>, vector<256x64xf32>, vector<512x64xf32> -> vector<512x64xf32>
    %add3A_36 = arith.addf %add3A, %dot_general3A_35 : vector<512x64xf32>
    %slice3A_37 = vector.extract_strided_slice %get3A_1 {offsets = [0, 768], sizes = [512, 256], strides = [1, 1]} : vector<512x2048xf32> to vector<512x256xf32>
    %slice3A_38 = vector.extract_strided_slice %get3A_4 {offsets = [768, 0], sizes = [256, 64], strides = [1, 1]} : vector<2048x64xf32> to vector<256x64xf32>
    %dot_general3A_39 = arith.constant dense<0.000000e+00> : vector<512x64xf32>
    %dot_general3A_40 = tpu.matmul %slice3A_37, %slice3A_38, %dot_general3A_39 {dimension_numbers = #tpu.dot_dimension_numbers<[1], [0], [0], [1], [0, 0, 1, 1], [], []>, transpose_lhs_hint = false} : vector<512x256xf32>, vector<256x64xf32>, vector<512x64xf32> -> vector<512x64xf32>
    %add3A_41 = arith.addf %add3A_36, %dot_general3A_40 : vector<512x64xf32>
    %slice3A_42 = vector.extract_strided_slice %get3A_1 {offsets = [0, 1024], sizes = [512, 256], strides = [1, 1]} : vector<512x2048xf32> to vector<512x256xf32>
    %slice3A_43 = vector.extract_strided_slice %get3A_4 {offsets = [1024, 0], sizes = [256, 64], strides = [1, 1]} : vector<2048x64xf32> to vector<256x64xf32>
    %dot_general3A_44 = arith.constant dense<0.000000e+00> : vector<512x64xf32>
    %dot_general3A_45 = tpu.matmul %slice3A_42, %slice3A_43, %dot_general3A_44 {dimension_numbers = #tpu.dot_dimension_numbers<[1], [0], [0], [1], [0, 0, 1, 1], [], []>, transpose_lhs_hint = false} : vector<512x256xf32>, vector<256x64xf32>, vector<512x64xf32> -> vector<512x64xf32>
    %add3A_46 = arith.addf %add3A_41, %dot_general3A_45 : vector<512x64xf32>
    %slice3A_47 = vector.extract_strided_slice %get3A_1 {offsets = [0, 1280], sizes = [512, 256], strides = [1, 1]} : vector<512x2048xf32> to vector<512x256xf32>
    %slice3A_48 = vector.extract_strided_slice %get3A_4 {offsets = [1280, 0], sizes = [256, 64], strides = [1, 1]} : vector<2048x64xf32> to vector<256x64xf32>
    %dot_general3A_49 = arith.constant dense<0.000000e+00> : vector<512x64xf32>
    %dot_general3A_50 = tpu.matmul %slice3A_47, %slice3A_48, %dot_general3A_49 {dimension_numbers = #tpu.dot_dimension_numbers<[1], [0], [0], [1], [0, 0, 1, 1], [], []>, transpose_lhs_hint = false} : vector<512x256xf32>, vector<256x64xf32>, vector<512x64xf32> -> vector<512x64xf32>
    %add3A_51 = arith.addf %add3A_46, %dot_general3A_50 : vector<512x64xf32>
    %slice3A_52 = vector.extract_strided_slice %get3A_1 {offsets = [0, 1536], sizes = [512, 256], strides = [1, 1]} : vector<512x2048xf32> to vector<512x256xf32>
    %slice3A_53 = vector.extract_strided_slice %get3A_4 {offsets = [1536, 0], sizes = [256, 64], strides = [1, 1]} : vector<2048x64xf32> to vector<256x64xf32>
    %dot_general3A_54 = arith.constant dense<0.000000e+00> : vector<512x64xf32>
    %dot_general3A_55 = tpu.matmul %slice3A_52, %slice3A_53, %dot_general3A_54 {dimension_numbers = #tpu.dot_dimension_numbers<[1], [0], [0], [1], [0, 0, 1, 1], [], []>, transpose_lhs_hint = false} : vector<512x256xf32>, vector<256x64xf32>, vector<512x64xf32> -> vector<512x64xf32>
    %add3A_56 = arith.addf %add3A_51, %dot_general3A_55 : vector<512x64xf32>
    %slice3A_57 = vector.extract_strided_slice %get3A_1 {offsets = [0, 1792], sizes = [512, 256], strides = [1, 1]} : vector<512x2048xf32> to vector<512x256xf32>
    %slice3A_58 = vector.extract_strided_slice %get3A_4 {offsets = [1792, 0], sizes = [256, 64], strides = [1, 1]} : vector<2048x64xf32> to vector<256x64xf32>
    %dot_general3A_59 = arith.constant dense<0.000000e+00> : vector<512x64xf32>
    %dot_general3A_60 = tpu.matmul %slice3A_57, %slice3A_58, %dot_general3A_59 {dimension_numbers = #tpu.dot_dimension_numbers<[1], [0], [0], [1], [0, 0, 1, 1], [], []>, transpose_lhs_hint = false} : vector<512x256xf32>, vector<256x64xf32>, vector<512x64xf32> -> vector<512x64xf32>
    %add3A_61 = arith.addf %add3A_56, %dot_general3A_60 : vector<512x64xf32>
    %add3A_62 = vector.broadcast %get3A_7 : vector<1x64xf32> to vector<512x64xf32>
    %add3A_63 = arith.addf %add3A_61, %add3A_62 : vector<512x64xf32>
    %sub3A = vector.broadcast %get3A_16 : vector<1x64xf32> to vector<512x64xf32>
    %sub3A_64 = arith.subf %add3A_63, %sub3A : vector<512x64xf32>
    %add3A_65 = arith.constant 9.99999974E-6 : f32
    %add3A_66 = vector.broadcast %add3A_65 : f32 to vector<1x64xf32>
    %add3A_67 = arith.addf %get3A_19, %add3A_66 : vector<1x64xf32>
    %sqrt3A = math.sqrt %add3A_67 : vector<1x64xf32>
    %div3A = vector.broadcast %sqrt3A : vector<1x64xf32> to vector<512x64xf32>
    %div3A_68 = arith.divf %sub3A_64, %div3A : vector<512x64xf32>
    %mul3A = vector.broadcast %get3A_10 : vector<1x64xf32> to vector<512x64xf32>
    %mul3A_69 = arith.mulf %div3A_68, %mul3A : vector<512x64xf32>
    %add3A_70 = vector.broadcast %get3A_13 : vector<1x64xf32> to vector<512x64xf32>
    %add3A_71 = arith.addf %mul3A_69, %add3A_70 : vector<512x64xf32>
    %max3A = arith.constant 0.000000e+00 : f32
    %max3A_72 = vector.broadcast %max3A : f32 to vector<512x64xf32>
    %max3A_73 = arith.maximumf %add3A_71, %max3A_72 : vector<512x64xf32>
    %dot_general3A_74 = arith.constant dense<0.000000e+00> : vector<512x16xf32>
    %dot_general3A_75 = tpu.matmul %max3A_73, %get3A_22, %dot_general3A_74 {dimension_numbers = #tpu.dot_dimension_numbers<[1], [0], [0], [1], [0, 0, 1, 1], [], []>, transpose_lhs_hint = false} : vector<512x64xf32>, vector<64x16xf32>, vector<512x16xf32> -> vector<512x16xf32>
    %add3A_76 = vector.broadcast %get3A_25 : vector<1x16xf32> to vector<512x16xf32>
    %add3A_77 = arith.addf %dot_general3A_75, %add3A_76 : vector<512x16xf32>
    %swap3A = arith.constant 0 : index
    %swap3A_78 = arith.constant 0 : index
    %swap3A_79 = vector.load %arg10[%swap3A, %swap3A_78] : memref<512x16xf32, #tpu.memory_space<vmem>>, vector<512x16xf32>
    tpu.vector_store %arg10[%swap3A, %swap3A_78], %add3A_77 {strides = array<i32>} : memref<512x16xf32, #tpu.memory_space<vmem>>, vector<512x16xf32>,
    return
  }
  func.func @transform_0(%arg0: i32) -> (i32, i32) {
    %add3A = arith.constant 0 : i32
    %add3A_0 = arith.addi %arg0, %add3A : i32
    %c0_i32 = arith.constant 0 : i32
    %c0_i32_1 = arith.constant 0 : i32
    return %add3A_0, %c0_i32 : i32, i32
  }
  func.func @transform_1(%arg0: i32) -> (i32, i32) {
    %c0_i32 = arith.constant 0 : i32
    %c0_i32_0 = arith.constant 0 : i32
    %c0_i32_1 = arith.constant 0 : i32
    return %c0_i32, %c0_i32_0 : i32, i32
  }
  func.func @transform_2(%arg0: i32) -> (i32, i32) {
    %c0_i32 = arith.constant 0 : i32
    %c0_i32_0 = arith.constant 0 : i32
    %c0_i32_1 = arith.constant 0 : i32
    return %c0_i32, %c0_i32_0 : i32, i32
  }
  func.func @transform_3(%arg0: i32) -> (i32, i32) {
    %c0_i32 = arith.constant 0 : i32
    %c0_i32_0 = arith.constant 0 : i32
    %c0_i32_1 = arith.constant 0 : i32
    return %c0_i32, %c0_i32_0 : i32, i32
  }
  func.func @transform_4(%arg0: i32) -> (i32, i32) {
    %c0_i32 = arith.constant 0 : i32
    %c0_i32_0 = arith.constant 0 : i32
    %c0_i32_1 = arith.constant 0 : i32
    return %c0_i32, %c0_i32_0 : i32, i32
  }
  func.func @transform_5(%arg0: i32) -> (i32, i32) {
    %c0_i32 = arith.constant 0 : i32
    %c0_i32_0 = arith.constant 0 : i32
    %c0_i32_1 = arith.constant 0 : i32
    return %c0_i32, %c0_i32_0 : i32, i32
  }
  func.func @transform_6(%arg0: i32) -> (i32, i32) {
    %c0_i32 = arith.constant 0 : i32
    %c0_i32_0 = arith.constant 0 : i32
    %c0_i32_1 = arith.constant 0 : i32
    return %c0_i32, %c0_i32_0 : i32, i32
  }
  func.func @transform_7(%arg0: i32) -> (i32, i32) {
    %c0_i32 = arith.constant 0 : i32
    %c0_i32_0 = arith.constant 0 : i32
    %c0_i32_1 = arith.constant 0 : i32
    return %c0_i32, %c0_i32_0 : i32, i32
  }
  func.func @transform_8(%arg0: i32) -> (i32, i32) {
    %c0_i32 = arith.constant 0 : i32
    %c0_i32_0 = arith.constant 0 : i32
    %c0_i32_1 = arith.constant 0 : i32
    return %c0_i32, %c0_i32_0 : i32, i32
  }
  func.func @transform_9(%arg0: i32) -> (i32, i32) {
    %c0_i32 = arith.constant 0 : i32
    %c0_i32_0 = arith.constant 0 : i32
    return %arg0, %c0_i32 : i32, i32
  }
}

module attributes {stable_mosaic.version = 14 : i64} {
  func.func @_fused_body(%arg0: i32, %arg1: memref<512x2048xf32, #tpu.memory_space<vmem>>, %arg2: memref<2048x64xf32, #tpu.memory_space<vmem>>, %arg3: memref<1x64xf32, #tpu.memory_space<vmem>>, %arg4: memref<1x64xf32, #tpu.memory_space<vmem>>, %arg5: memref<1x64xf32, #tpu.memory_space<vmem>>, %arg6: memref<1x64xf32, #tpu.memory_space<vmem>>, %arg7: memref<1x64xf32, #tpu.memory_space<vmem>>, %arg8: memref<64x16xf32, #tpu.memory_space<vmem>>, %arg9: memref<1x16xf32, #tpu.memory_space<vmem>>, %arg10: memref<512x16xf32, #tpu.memory_space<vmem>>, %arg11: memref<512x2xi32, #tpu.memory_space<vmem>>) attributes {dimension_semantics = [#tpu.dimension_semantics<arbitrary>], iteration_bounds = array<i64: 16>, scalar_prefetch = 0 : i64, scratch_operands = 0 : i64, tpu.core_type = #tpu.core_type<tc>, window_params = [{transform_indices = @transform_0, window_bounds = array<i64: 512, 2048>}, {pipeline_mode = #tpu.pipeline_mode<synchronous>, transform_indices = @transform_1, window_bounds = array<i64: 2048, 64>}, {pipeline_mode = #tpu.pipeline_mode<synchronous>, transform_indices = @transform_2, window_bounds = array<i64: 1, 64>}, {pipeline_mode = #tpu.pipeline_mode<synchronous>, transform_indices = @transform_3, window_bounds = array<i64: 1, 64>}, {pipeline_mode = #tpu.pipeline_mode<synchronous>, transform_indices = @transform_4, window_bounds = array<i64: 1, 64>}, {pipeline_mode = #tpu.pipeline_mode<synchronous>, transform_indices = @transform_5, window_bounds = array<i64: 1, 64>}, {pipeline_mode = #tpu.pipeline_mode<synchronous>, transform_indices = @transform_6, window_bounds = array<i64: 1, 64>}, {pipeline_mode = #tpu.pipeline_mode<synchronous>, transform_indices = @transform_7, window_bounds = array<i64: 64, 16>}, {pipeline_mode = #tpu.pipeline_mode<synchronous>, transform_indices = @transform_8, window_bounds = array<i64: 1, 16>}, {transform_indices = @transform_9, window_bounds = array<i64: 512, 16>}, {transform_indices = @transform_10, window_bounds = array<i64: 512, 2>}]} {
    %get3A = arith.constant 0 : index
    %get3A_0 = arith.constant 0 : index
    %get3A_1 = vector.load %arg1[%get3A, %get3A_0] : memref<512x2048xf32, #tpu.memory_space<vmem>>, vector<512x2048xf32>
    %get3A_2 = arith.constant 0 : index
    %get3A_3 = arith.constant 0 : index
    %get3A_4 = vector.load %arg2[%get3A_2, %get3A_3] : memref<2048x64xf32, #tpu.memory_space<vmem>>, vector<2048x64xf32>
    %get3A_5 = arith.constant 0 : index
    %get3A_6 = arith.constant 0 : index
    %get3A_7 = vector.load %arg3[%get3A_5, %get3A_6] : memref<1x64xf32, #tpu.memory_space<vmem>>, vector<1x64xf32>
    %get3A_8 = arith.constant 0 : index
    %get3A_9 = arith.constant 0 : index
    %get3A_10 = vector.load %arg4[%get3A_8, %get3A_9] : memref<1x64xf32, #tpu.memory_space<vmem>>, vector<1x64xf32>
    %get3A_11 = arith.constant 0 : index
    %get3A_12 = arith.constant 0 : index
    %get3A_13 = vector.load %arg5[%get3A_11, %get3A_12] : memref<1x64xf32, #tpu.memory_space<vmem>>, vector<1x64xf32>
    %get3A_14 = arith.constant 0 : index
    %get3A_15 = arith.constant 0 : index
    %get3A_16 = vector.load %arg6[%get3A_14, %get3A_15] : memref<1x64xf32, #tpu.memory_space<vmem>>, vector<1x64xf32>
    %get3A_17 = arith.constant 0 : index
    %get3A_18 = arith.constant 0 : index
    %get3A_19 = vector.load %arg7[%get3A_17, %get3A_18] : memref<1x64xf32, #tpu.memory_space<vmem>>, vector<1x64xf32>
    %get3A_20 = arith.constant 0 : index
    %get3A_21 = arith.constant 0 : index
    %get3A_22 = vector.load %arg8[%get3A_20, %get3A_21] : memref<64x16xf32, #tpu.memory_space<vmem>>, vector<64x16xf32>
    %get3A_23 = arith.constant 0 : index
    %get3A_24 = arith.constant 0 : index
    %get3A_25 = vector.load %arg9[%get3A_23, %get3A_24] : memref<1x16xf32, #tpu.memory_space<vmem>>, vector<1x16xf32>
    %slice3A = vector.extract_strided_slice %get3A_1 {offsets = [0, 0], sizes = [512, 256], strides = [1, 1]} : vector<512x2048xf32> to vector<512x256xf32>
    %slice3A_26 = vector.extract_strided_slice %get3A_4 {offsets = [0, 0], sizes = [256, 64], strides = [1, 1]} : vector<2048x64xf32> to vector<256x64xf32>
    %dot_general3A = arith.constant dense<0.000000e+00> : vector<512x64xf32>
    %dot_general3A_27 = tpu.matmul %slice3A, %slice3A_26, %dot_general3A {dimension_numbers = #tpu.dot_dimension_numbers<[1], [0], [0], [1], [0, 0, 1, 1], [], []>, transpose_lhs_hint = false} : vector<512x256xf32>, vector<256x64xf32>, vector<512x64xf32> -> vector<512x64xf32>
    %slice3A_28 = vector.extract_strided_slice %get3A_1 {offsets = [0, 256], sizes = [512, 256], strides = [1, 1]} : vector<512x2048xf32> to vector<512x256xf32>
    %slice3A_29 = vector.extract_strided_slice %get3A_4 {offsets = [256, 0], sizes = [256, 64], strides = [1, 1]} : vector<2048x64xf32> to vector<256x64xf32>
    %dot_general3A_30 = arith.constant dense<0.000000e+00> : vector<512x64xf32>
    %dot_general3A_31 = tpu.matmul %slice3A_28, %slice3A_29, %dot_general3A_30 {dimension_numbers = #tpu.dot_dimension_numbers<[1], [0], [0], [1], [0, 0, 1, 1], [], []>, transpose_lhs_hint = false} : vector<512x256xf32>, vector<256x64xf32>, vector<512x64xf32> -> vector<512x64xf32>
    %add3A = arith.addf %dot_general3A_27, %dot_general3A_31 : vector<512x64xf32>
    %slice3A_32 = vector.extract_strided_slice %get3A_1 {offsets = [0, 512], sizes = [512, 256], strides = [1, 1]} : vector<512x2048xf32> to vector<512x256xf32>
    %slice3A_33 = vector.extract_strided_slice %get3A_4 {offsets = [512, 0], sizes = [256, 64], strides = [1, 1]} : vector<2048x64xf32> to vector<256x64xf32>
    %dot_general3A_34 = arith.constant dense<0.000000e+00> : vector<512x64xf32>
    %dot_general3A_35 = tpu.matmul %slice3A_32, %slice3A_33, %dot_general3A_34 {dimension_numbers = #tpu.dot_dimension_numbers<[1], [0], [0], [1], [0, 0, 1, 1], [], []>, transpose_lhs_hint = false} : vector<512x256xf32>, vector<256x64xf32>, vector<512x64xf32> -> vector<512x64xf32>
    %add3A_36 = arith.addf %add3A, %dot_general3A_35 : vector<512x64xf32>
    %slice3A_37 = vector.extract_strided_slice %get3A_1 {offsets = [0, 768], sizes = [512, 256], strides = [1, 1]} : vector<512x2048xf32> to vector<512x256xf32>
    %slice3A_38 = vector.extract_strided_slice %get3A_4 {offsets = [768, 0], sizes = [256, 64], strides = [1, 1]} : vector<2048x64xf32> to vector<256x64xf32>
    %dot_general3A_39 = arith.constant dense<0.000000e+00> : vector<512x64xf32>
    %dot_general3A_40 = tpu.matmul %slice3A_37, %slice3A_38, %dot_general3A_39 {dimension_numbers = #tpu.dot_dimension_numbers<[1], [0], [0], [1], [0, 0, 1, 1], [], []>, transpose_lhs_hint = false} : vector<512x256xf32>, vector<256x64xf32>, vector<512x64xf32> -> vector<512x64xf32>
    %add3A_41 = arith.addf %add3A_36, %dot_general3A_40 : vector<512x64xf32>
    %slice3A_42 = vector.extract_strided_slice %get3A_1 {offsets = [0, 1024], sizes = [512, 256], strides = [1, 1]} : vector<512x2048xf32> to vector<512x256xf32>
    %slice3A_43 = vector.extract_strided_slice %get3A_4 {offsets = [1024, 0], sizes = [256, 64], strides = [1, 1]} : vector<2048x64xf32> to vector<256x64xf32>
    %dot_general3A_44 = arith.constant dense<0.000000e+00> : vector<512x64xf32>
    %dot_general3A_45 = tpu.matmul %slice3A_42, %slice3A_43, %dot_general3A_44 {dimension_numbers = #tpu.dot_dimension_numbers<[1], [0], [0], [1], [0, 0, 1, 1], [], []>, transpose_lhs_hint = false} : vector<512x256xf32>, vector<256x64xf32>, vector<512x64xf32> -> vector<512x64xf32>
    %add3A_46 = arith.addf %add3A_41, %dot_general3A_45 : vector<512x64xf32>
    %slice3A_47 = vector.extract_strided_slice %get3A_1 {offsets = [0, 1280], sizes = [512, 256], strides = [1, 1]} : vector<512x2048xf32> to vector<512x256xf32>
    %slice3A_48 = vector.extract_strided_slice %get3A_4 {offsets = [1280, 0], sizes = [256, 64], strides = [1, 1]} : vector<2048x64xf32> to vector<256x64xf32>
    %dot_general3A_49 = arith.constant dense<0.000000e+00> : vector<512x64xf32>
    %dot_general3A_50 = tpu.matmul %slice3A_47, %slice3A_48, %dot_general3A_49 {dimension_numbers = #tpu.dot_dimension_numbers<[1], [0], [0], [1], [0, 0, 1, 1], [], []>, transpose_lhs_hint = false} : vector<512x256xf32>, vector<256x64xf32>, vector<512x64xf32> -> vector<512x64xf32>
    %add3A_51 = arith.addf %add3A_46, %dot_general3A_50 : vector<512x64xf32>
    %slice3A_52 = vector.extract_strided_slice %get3A_1 {offsets = [0, 1536], sizes = [512, 256], strides = [1, 1]} : vector<512x2048xf32> to vector<512x256xf32>
    %slice3A_53 = vector.extract_strided_slice %get3A_4 {offsets = [1536, 0], sizes = [256, 64], strides = [1, 1]} : vector<2048x64xf32> to vector<256x64xf32>
    %dot_general3A_54 = arith.constant dense<0.000000e+00> : vector<512x64xf32>
    %dot_general3A_55 = tpu.matmul %slice3A_52, %slice3A_53, %dot_general3A_54 {dimension_numbers = #tpu.dot_dimension_numbers<[1], [0], [0], [1], [0, 0, 1, 1], [], []>, transpose_lhs_hint = false} : vector<512x256xf32>, vector<256x64xf32>, vector<512x64xf32> -> vector<512x64xf32>
    %add3A_56 = arith.addf %add3A_51, %dot_general3A_55 : vector<512x64xf32>
    %slice3A_57 = vector.extract_strided_slice %get3A_1 {offsets = [0, 1792], sizes = [512, 256], strides = [1, 1]} : vector<512x2048xf32> to vector<512x256xf32>
    %slice3A_58 = vector.extract_strided_slice %get3A_4 {offsets = [1792, 0], sizes = [256, 64], strides = [1, 1]} : vector<2048x64xf32> to vector<256x64xf32>
    %dot_general3A_59 = arith.constant dense<0.000000e+00> : vector<512x64xf32>
    %dot_general3A_60 = tpu.matmul %slice3A_57, %slice3A_58, %dot_general3A_59 {dimension_numbers = #tpu.dot_dimension_numbers<[1], [0], [0], [1], [0, 0, 1, 1], [], []>, transpose_lhs_hint = false} : vector<512x256xf32>, vector<256x64xf32>, vector<512x64xf32> -> vector<512x64xf32>
    %add3A_61 = arith.addf %add3A_56, %dot_general3A_60 : vector<512x64xf32>
    %add3A_62 = vector.broadcast %get3A_7 : vector<1x64xf32> to vector<512x64xf32>
    %add3A_63 = arith.addf %add3A_61, %add3A_62 : vector<512x64xf32>
    %sub3A = vector.broadcast %get3A_16 : vector<1x64xf32> to vector<512x64xf32>
    %sub3A_64 = arith.subf %add3A_63, %sub3A : vector<512x64xf32>
    %add3A_65 = arith.constant 9.99999974E-6 : f32
    %add3A_66 = vector.broadcast %add3A_65 : f32 to vector<1x64xf32>
    %add3A_67 = arith.addf %get3A_19, %add3A_66 : vector<1x64xf32>
    %sqrt3A = math.sqrt %add3A_67 : vector<1x64xf32>
    %div3A = vector.broadcast %sqrt3A : vector<1x64xf32> to vector<512x64xf32>
    %div3A_68 = arith.divf %sub3A_64, %div3A : vector<512x64xf32>
    %mul3A = vector.broadcast %get3A_10 : vector<1x64xf32> to vector<512x64xf32>
    %mul3A_69 = arith.mulf %div3A_68, %mul3A : vector<512x64xf32>
    %add3A_70 = vector.broadcast %get3A_13 : vector<1x64xf32> to vector<512x64xf32>
    %add3A_71 = arith.addf %mul3A_69, %add3A_70 : vector<512x64xf32>
    %max3A = arith.constant 0.000000e+00 : f32
    %max3A_72 = vector.broadcast %max3A : f32 to vector<512x64xf32>
    %max3A_73 = arith.maximumf %add3A_71, %max3A_72 : vector<512x64xf32>
    %dot_general3A_74 = arith.constant dense<0.000000e+00> : vector<512x16xf32>
    %dot_general3A_75 = tpu.matmul %max3A_73, %get3A_22, %dot_general3A_74 {dimension_numbers = #tpu.dot_dimension_numbers<[1], [0], [0], [1], [0, 0, 1, 1], [], []>, transpose_lhs_hint = false} : vector<512x64xf32>, vector<64x16xf32>, vector<512x16xf32> -> vector<512x16xf32>
    %add3A_76 = vector.broadcast %get3A_25 : vector<1x16xf32> to vector<512x16xf32>
    %add3A_77 = arith.addf %dot_general3A_75, %add3A_76 : vector<512x16xf32>
    %iota3A = tpu.iota {dimensions = array<i32: 1>} : vector<512x16xi32>
    %reduce_max3A = arith.constant dense<0xFF800000> : vector<512xf32>
    %reduce_max3A_78 = vector.multi_reduction <maximumf>, %add3A_77, %reduce_max3A [1] : vector<512x16xf32> to vector<512xf32>
    %broadcast_in_dim3A = vector.shape_cast %reduce_max3A_78 : vector<512xf32> to vector<512x1xf32>
    %eq3A = vector.broadcast %broadcast_in_dim3A : vector<512x1xf32> to vector<512x16xf32>
    %eq3A_79 = arith.cmpf oeq, %add3A_77, %eq3A : vector<512x16xf32>
    %jit3A = arith.constant 16 : i32
    %broadcast_in_dim3A_80 = vector.broadcast %jit3A : i32 to vector<512x16xi32>
    %select_n3A = arith.select %eq3A_79, %iota3A, %broadcast_in_dim3A_80 : vector<512x16xi1>, vector<512x16xi32>
    %reduce_min3A = arith.constant dense<2147483647> : vector<512xi32>
    %reduce_min3A_81 = vector.multi_reduction <minsi>, %select_n3A, %reduce_min3A [1] : vector<512x16xi32> to vector<512xi32>
    %broadcast_in_dim3A_82 = vector.shape_cast %reduce_min3A_81 : vector<512xi32> to vector<512x1xi32>
    %eq3A_83 = vector.broadcast %broadcast_in_dim3A_82 : vector<512x1xi32> to vector<512x16xi32>
    %eq3A_84 = arith.cmpi eq, %iota3A, %eq3A_83 : vector<512x16xi32>
    %jit3A_85 = arith.constant -1.000000e+30 : f32
    %broadcast_in_dim3A_86 = vector.broadcast %jit3A_85 : f32 to vector<512x16xf32>
    %select_n3A_87 = arith.select %eq3A_84, %broadcast_in_dim3A_86, %add3A_77 : vector<512x16xi1>, vector<512x16xf32>
    %reduce_max3A_88 = arith.constant dense<0xFF800000> : vector<512xf32>
    %reduce_max3A_89 = vector.multi_reduction <maximumf>, %select_n3A_87, %reduce_max3A_88 [1] : vector<512x16xf32> to vector<512xf32>
    %broadcast_in_dim3A_90 = vector.shape_cast %reduce_max3A_89 : vector<512xf32> to vector<512x1xf32>
    %eq3A_91 = vector.broadcast %broadcast_in_dim3A_90 : vector<512x1xf32> to vector<512x16xf32>
    %eq3A_92 = arith.cmpf oeq, %select_n3A_87, %eq3A_91 : vector<512x16xf32>
    %jit3A_93 = arith.constant 16 : i32
    %broadcast_in_dim3A_94 = vector.broadcast %jit3A_93 : i32 to vector<512x16xi32>
    %select_n3A_95 = arith.select %eq3A_92, %iota3A, %broadcast_in_dim3A_94 : vector<512x16xi1>, vector<512x16xi32>
    %reduce_min3A_96 = arith.constant dense<2147483647> : vector<512xi32>
    %reduce_min3A_97 = vector.multi_reduction <minsi>, %select_n3A_95, %reduce_min3A_96 [1] : vector<512x16xi32> to vector<512xi32>
    %broadcast_in_dim3A_98 = vector.shape_cast %reduce_min3A_97 : vector<512xi32> to vector<512x1xi32>
    %sub3A_99 = arith.subf %broadcast_in_dim3A_90, %broadcast_in_dim3A : vector<512x1xf32>
    %exp3A = math.exp %sub3A_99 : vector<512x1xf32>
    %add3A_100 = arith.constant 1.000000e+00 : f32
    %add3A_101 = vector.broadcast %add3A_100 : f32 to vector<512x1xf32>
    %add3A_102 = arith.addf %add3A_101, %exp3A : vector<512x1xf32>
    %div3A_103 = arith.constant 1.000000e+00 : f32
    %div3A_104 = vector.broadcast %div3A_103 : f32 to vector<512x1xf32>
    %div3A_105 = arith.divf %div3A_104, %add3A_102 : vector<512x1xf32>
    %div3A_106 = arith.divf %exp3A, %add3A_102 : vector<512x1xf32>
    %eq3A_107 = vector.broadcast %broadcast_in_dim3A_82 : vector<512x1xi32> to vector<512x16xi32>
    %eq3A_108 = arith.cmpi eq, %iota3A, %eq3A_107 : vector<512x16xi32>
    %jit3A_109 = arith.constant 0.000000e+00 : f32
    %broadcast_in_dim3A_110 = vector.shape_cast %div3A_105 : vector<512x1xf32> to vector<512x1xf32>
    %broadcast_in_dim3A_111 = vector.broadcast %broadcast_in_dim3A_110 : vector<512x1xf32> to vector<512x16xf32>
    %broadcast_in_dim3A_112 = vector.broadcast %jit3A_109 : f32 to vector<512x16xf32>
    %select_n3A_113 = arith.select %eq3A_108, %broadcast_in_dim3A_111, %broadcast_in_dim3A_112 : vector<512x16xi1>, vector<512x16xf32>
    %eq3A_114 = vector.broadcast %broadcast_in_dim3A_98 : vector<512x1xi32> to vector<512x16xi32>
    %eq3A_115 = arith.cmpi eq, %iota3A, %eq3A_114 : vector<512x16xi32>
    %jit3A_116 = arith.constant 0.000000e+00 : f32
    %broadcast_in_dim3A_117 = vector.shape_cast %div3A_106 : vector<512x1xf32> to vector<512x1xf32>
    %broadcast_in_dim3A_118 = vector.broadcast %broadcast_in_dim3A_117 : vector<512x1xf32> to vector<512x16xf32>
    %broadcast_in_dim3A_119 = vector.broadcast %jit3A_116 : f32 to vector<512x16xf32>
    %select_n3A_120 = arith.select %eq3A_115, %broadcast_in_dim3A_118, %broadcast_in_dim3A_119 : vector<512x16xi1>, vector<512x16xf32>
    %add3A_121 = arith.addf %select_n3A_113, %select_n3A_120 : vector<512x16xf32>
    %swap3A = arith.constant 0 : index
    %swap3A_122 = arith.constant 0 : index
    %swap3A_123 = vector.load %arg10[%swap3A, %swap3A_122] : memref<512x16xf32, #tpu.memory_space<vmem>>, vector<512x16xf32>
    tpu.vector_store %arg10[%swap3A, %swap3A_122], %add3A_121 {strides = array<i32>} : memref<512x16xf32, #tpu.memory_space<vmem>>, vector<512x16xf32>,
    %concatenate3A = tpu.concatenate %broadcast_in_dim3A_82, %broadcast_in_dim3A_98 in 1 : vector<512x1xi32>, vector<512x1xi32> -> vector<512x2xi32>
    %swap3A_124 = arith.constant 0 : index
    %swap3A_125 = arith.constant 0 : index
    %swap3A_126 = vector.load %arg11[%swap3A_124, %swap3A_125] : memref<512x2xi32, #tpu.memory_space<vmem>>, vector<512x2xi32>
    tpu.vector_store %arg11[%swap3A_124, %swap3A_125], %concatenate3A {strides = array<i32>} : memref<512x2xi32, #tpu.memory_space<vmem>>, vector<512x2xi32>,
    return
  }
  func.func @transform_0(%arg0: i32) -> (i32, i32) {
    %add3A = arith.constant 16 : i32
    %add3A_0 = arith.addi %arg0, %add3A : i32
    %c0_i32 = arith.constant 0 : i32
    %c0_i32_1 = arith.constant 0 : i32
    return %add3A_0, %c0_i32 : i32, i32
  }
  func.func @transform_1(%arg0: i32) -> (i32, i32) {
    %c0_i32 = arith.constant 0 : i32
    %c0_i32_0 = arith.constant 0 : i32
    %c0_i32_1 = arith.constant 0 : i32
    return %c0_i32, %c0_i32_0 : i32, i32
  }
  func.func @transform_2(%arg0: i32) -> (i32, i32) {
    %c0_i32 = arith.constant 0 : i32
    %c0_i32_0 = arith.constant 0 : i32
    %c0_i32_1 = arith.constant 0 : i32
    return %c0_i32, %c0_i32_0 : i32, i32
  }
  func.func @transform_3(%arg0: i32) -> (i32, i32) {
    %c0_i32 = arith.constant 0 : i32
    %c0_i32_0 = arith.constant 0 : i32
    %c0_i32_1 = arith.constant 0 : i32
    return %c0_i32, %c0_i32_0 : i32, i32
  }
  func.func @transform_4(%arg0: i32) -> (i32, i32) {
    %c0_i32 = arith.constant 0 : i32
    %c0_i32_0 = arith.constant 0 : i32
    %c0_i32_1 = arith.constant 0 : i32
    return %c0_i32, %c0_i32_0 : i32, i32
  }
  func.func @transform_5(%arg0: i32) -> (i32, i32) {
    %c0_i32 = arith.constant 0 : i32
    %c0_i32_0 = arith.constant 0 : i32
    %c0_i32_1 = arith.constant 0 : i32
    return %c0_i32, %c0_i32_0 : i32, i32
  }
  func.func @transform_6(%arg0: i32) -> (i32, i32) {
    %c0_i32 = arith.constant 0 : i32
    %c0_i32_0 = arith.constant 0 : i32
    %c0_i32_1 = arith.constant 0 : i32
    return %c0_i32, %c0_i32_0 : i32, i32
  }
  func.func @transform_7(%arg0: i32) -> (i32, i32) {
    %c0_i32 = arith.constant 0 : i32
    %c0_i32_0 = arith.constant 0 : i32
    %c0_i32_1 = arith.constant 0 : i32
    return %c0_i32, %c0_i32_0 : i32, i32
  }
  func.func @transform_8(%arg0: i32) -> (i32, i32) {
    %c0_i32 = arith.constant 0 : i32
    %c0_i32_0 = arith.constant 0 : i32
    %c0_i32_1 = arith.constant 0 : i32
    return %c0_i32, %c0_i32_0 : i32, i32
  }
  func.func @transform_9(%arg0: i32) -> (i32, i32) {
    %c0_i32 = arith.constant 0 : i32
    %c0_i32_0 = arith.constant 0 : i32
    return %arg0, %c0_i32 : i32, i32
  }
  func.func @transform_10(%arg0: i32) -> (i32, i32) {
    %c0_i32 = arith.constant 0 : i32
    %c0_i32_0 = arith.constant 0 : i32
    return %arg0, %c0_i32 : i32, i32
  }
}

</mosaic_0001>

<sc_bundles>
// kernel: kernel.5.cloned.1.call-start
scs
__scs_entry_jumppad:
0x0: {  	(pc) =	sbr.rel $0x88, $3  }
0x1: {  	(tag) =	ssettag $0x0;
	lr =	simm.s32 $0x1  }
0x2: {  	[smem:$0x3F98] =	sst lr;
	_ =	strace $0xD0000000  }
0x3: {  	_ = 	snop  }
0x4: {  	_ = 	snop  }
0x5: {  	_ = 	snop  }
0x6: {  	_ = 	snop  }
0x7: {  	_ = 	snop  }
__scs_overlays_trampoline_lowered:
0x8: {  	[smem:$0x3FA7] =	sst s0  }
0x9: {  	[smem:$0x3FA8] =	sst s1  }
0xa: {  	[smem:$0x3FA9] =	sst s2  }
0xb: {  	[smem:$0x3FAA] =	sst s3  }
0xc: {  	[smem:$0x3FAB] =	sst s4  }
0xd: {  	[smem:$0x3FAC] =	sst s5  }
0xe: {  	[smem:$0x3FAD] =	sst s6  }
0xf: {  	[smem:$0x3FAE] =	sst s7  }
0x10: {  	[smem:$0x3FAF] =	sst s8  }
0x11: {  	[smem:$0x3FB0] =	sst s9;
	s0 =	simm.s32 @!p0 $0x0  }
0x12: {  	s1 =	sld [smem:$0x3F96];
	s0 =	simm.s32 @p0 $0x1  }
0x13: {  	[smem:$0x3FB1] =	sst s0;
	s0 =	simm.s32 @!p1 $0x0  }
0x14: {  	s2 =	sld [smem:$0x3F95];
	s0 =	simm.s32 @p1 $0x1  }
0x15: {  	[smem:$0x3FB2] =	sst s0;
	s0 =	simm.s32 @!p2 $0x0  }
0x16: {  	s3 =	sld [smem:$0x3FDB];
	s0 =	simm.s32 @p2 $0x1  }
0x17: {  	s4 =	simm.s32 $0x1BF5;
	[smem:$0x3FB4] =	sst s0  }
0x18: {  	s0 =	sld [smem:$0x3F97];
	_ =	swait.ge [sflag:s4], $0x0  }
0x19: {  	s7 =	sld [smem:$0x3F98]  }
0x1a: {  	s8 =	sadd.s32 $0xFFFFE003, lr  }
0x1b: {  	s9 =	sadd.s32 $0xFFFFFEF7, lr;
	s5 =	simm.s32 $0xFFFFFFFF;
	p2 =	slt.u32 s8, $0xFFFFF086  }
0x1c: {  	p1 =	slt.u32 s9, $0xF7A;
	s5 =	simm.s32 @!p2 $0x0  }
0x1d: {  	s5 =	simm.s32 @p1 $0x1;
	p0 =	seq.s32 s7, s2  }
0x1e: {  	s7 =	smul.u32 @!p0 $0xF7A, s2;
	p2 =	seq.s32 @!p0 s5, $0x0  }
0x1f: {  	s9 =	smul.u32 $0xF7A, s1;
	s8 =	simm.s32 @!p0 $0x1BF5;
	p2 =	por !p2, p0  }
0x20: {  	[sflag:s8] =	ssyncset.s32 @!p0 $0xFFFFF086;
	s6 =	sadd.s32 @!p0 s3, s7;
	s7 =	simm.s32 @!p0 $0x108  }
0x21: {  	s3 =	sadd.s32 s3, s9;
	s6 =	sadd.s32 @!p0 $0x88, s6;
	s7 =	simm.s32 @p2 $0x1082  }
0x22: {  	[simem:s7], [sflag:s8] =	dma.local @!p0 [hbm:s6], $0xF7A  }
0x23: {  	s9 =	sor.u32 $0xD0000000, s2;
	s6 =	simm.s32 $0x108;
	_ =	swait.ge @!p0 [sflag:s8], $0x0  }
0x24: {  	s3 =	sadd.s32 $0x88, s3;
	s6 =	simm.s32 @!p1 $0x1082;
	[sflag:s4] =	ssyncset.s32 $0xFFFFF086  }
0x25: {  	[simem:s6], [sflag:s4] =	dma.local [hbm:s3], $0xF7A  }
0x26: {  	[smem:$0x3F98] =	sst s1;
	(tag) =	ssettag s2;
	_ =	strace s9  }
0x27: {  	s1 =	sld [smem:$0x3FA8]  }
0x28: {  	s2 =	sld [smem:$0x3FA9]  }
0x29: {  	s4 =	sld [smem:$0x3FAB]  }
0x2a: {  	p0 =	seq.s32 s5, $0x0;
	s5 =	sld [smem:$0x3FAC]  }
0x2b: {  	s6 =	sld [smem:$0x3FAD]  }
0x2c: {  	s7 =	sld [smem:$0x3FAE]  }
0x2d: {  	s3 =	simm.s32 $0x108;
	s8 =	sld [smem:$0x3FAF]  }
0x2e: {  	s3 =	simm.s32 @!p0 $0x1082;
	s9 =	sld [smem:$0x3FB0]  }
0x2f: {  	lr =	sadd.s32 s0, s3;
	s0 =	sld [smem:$0x3FA7]  }
0x30: {  	s3 =	sld [smem:$0x3FAA]  }
0x31: {  	[smem:$0x3FB3] =	sst s10  }
0x32: {  	s10 =	sld [smem:$0x3FB1];
	_ =	sdelay $0x3  }
0x33: {  	p0 =	seq.s32 s10, $0x1;
	s10 =	sld [smem:$0x3FB3];
	_ =	sdelay $0x3  }
0x34: {  	[smem:$0x3FB3] =	sst s10  }
0x35: {  	s10 =	sld [smem:$0x3FB2];
	_ =	sdelay $0x3  }
0x36: {  	p1 =	seq.s32 s10, $0x1;
	s10 =	sld [smem:$0x3FB3];
	_ =	sdelay $0x3  }
0x37: {  	[smem:$0x3FB3] =	sst s10  }
0x38: {  	s10 =	sld [smem:$0x3FB4]  }
0x39: {  	_ = 	snop;
	(pc) =	sbr.ind lr, $3  }
0x3a: {  	_ = 	snop  }
0x3b: {  	_ = 	snop  }
0x3c: {  	p2 =	seq.s32 s10, $0x1;
	s10 =	sld [smem:$0x3FB3]  }
0x3d: {  	_ =	shalt  }
0x3e: {  	_ =	shalt  }
0x3f: {  	_ =	shalt  }
0x40: {  	_ =	shalt  }
0x41: {  	_ =	shalt  }
0x42: {  	_ =	shalt  }
0x43: {  	_ =	shalt  }
0x44: {  	_ =	shalt  }
0x45: {  	_ =	shalt  }
0x46: {  	_ =	shalt  }
0x47: {  	_ =	shalt  }
0x48: {  	_ =	shalt  }
0x49: {  	_ =	shalt  }
0x4a: {  	_ =	shalt  }
0x4b: {  	_ =	shalt  }
0x4c: {  	_ =	shalt  }
0x4d: {  	_ =	shalt  }
0x4e: {  	_ =	shalt  }
0x4f: {  	_ =	shalt  }
0x50: {  	_ =	shalt  }
0x51: {  	_ =	shalt  }
0x52: {  	_ =	shalt  }
0x53: {  	_ =	shalt  }
0x54: {  	_ =	shalt  }
0x55: {  	_ =	shalt  }
0x56: {  	_ =	shalt  }
0x57: {  	_ =	shalt  }
0x58: {  	_ =	shalt  }
0x59: {  	_ =	shalt  }
0x5a: {  	_ =	shalt  }
0x5b: {  	_ =	shalt  }
0x5c: {  	_ =	shalt  }
0x5d: {  	_ =	shalt  }
0x5e: {  	_ =	shalt  }
0x5f: {  	_ =	shalt  }
0x60: {  	_ =	shalt  }
0x61: {  	_ =	shalt  }
0x62: {  	_ =	shalt  }
0x63: {  	_ =	shalt  }
0x64: {  	_ =	shalt  }
0x65: {  	_ =	shalt  }
0x66: {  	_ =	shalt  }
0x67: {  	_ =	shalt  }
0x68: {  	_ =	shalt  }
0x69: {  	_ =	shalt  }
0x6a: {  	_ =	shalt  }
0x6b: {  	_ =	shalt  }
0x6c: {  	_ =	shalt  }
0x6d: {  	_ =	shalt  }
0x6e: {  	_ =	shalt  }
0x6f: {  	_ =	shalt  }
0x70: {  	_ =	shalt  }
0x71: {  	_ =	shalt  }
0x72: {  	_ =	shalt  }
0x73: {  	_ =	shalt  }
0x74: {  	_ =	shalt  }
0x75: {  	_ =	shalt  }
0x76: {  	_ =	shalt  }
0x77: {  	_ =	shalt  }
0x78: {  	_ =	shalt  }
0x79: {  	_ =	shalt  }
0x7a: {  	_ =	shalt  }
0x7b: {  	_ =	shalt  }
0x7c: {  	_ =	shalt  }
0x7d: {  	_ =	shalt  }
0x7e: {  	_ =	shalt  }
0x7f: {  	_ =	shalt  }
0x80: {  	_ =	shalt  }
0x81: {  	_ =	shalt  }
0x82: {  	_ =	shalt  }
0x83: {  	_ =	shalt  }
0x84: {  	_ =	shalt  }
0x85: {  	_ =	shalt  }
0x86: {  	_ =	shalt  }
0x87: {  	_ =	shalt  }
.Lfunc_end0:
.L_simem_size_0:
called_computation_lowered:
.L_overlay_start_0:
0x88: {  	s2 =	sld [smem:$0x3FD9]  }
0x89: {  	s3 =	sld [smem:$0x3FFE];
	_ =	sdelay $0x1  }
0x8a: {  	s1 =	srdreg.scid  }
0x8b: {  	s0 =	sand.u32 $0x1, s1  }
0x8c: {  	s16 =	sshll.u32 s0, $0xA;
	s2 =	sadd.s32 s3, s2  }
0x8d: {  	s2 =	sadd.s32 s2, s16  }
0x8e: {  	[smem:$0x3FBF] =	sst s2  }
0x8f: {  	_ = 	snop  }
0x90: {  	(tm) =	ssettm $0x1  }
0x91: {  	s17 =	sld [smem:$0x3FFB];
	_ =	sdelay $0x3  }
0x92: {  	_ =	strace s17  }
0x93: {  	s2 =	sld [smem:$0x3FFC];
	_ =	sdelay $0x3  }
0x94: {  	_ =	strace s2  }
0x95: {  	s2 =	sld [smem:$0x3FFD];
	_ =	sdelay $0x3  }
0x96: {  	_ =	strace s2  }
0x97: {  	_ =	strace $0x8FFFFFFF  }
0x98: {  	s18 =	sld [smem:$0x3FDB];
	_ =	sdelay $0x1  }
0x99: {  	s19 =	simm.s32 $_scs_section_size  }
0x9a: {  	s4 =	simm.s32 $_size__tile_overlayer_lowered;
	s5 =	simm.s32 $_tile_overlayer_lowered  }
0x9b: {  	s22 =	simm.s32 $0x1BFF;
	s21 =	sshll.u32 s5, $0x1;
	s2 =	sadd.s32 s19, s18  }
0x9c: {  	s6 =	simm.s32 $0x0;
	s20 =	sshll.u32 s4, $0x1;
	s4 =	sadd.s32 s21, s2  }
0x9d: {  	[timem:s6], [sflag:s22] =	dma.local [hbm:s4], s20  }
0x9e: {  	_ =	swait.ge [sflag:s22], s20  }
0x9f: {  	s3 =	ssub.s32 $0x0, s20;
	[sflag:s22] =	ssyncset.done $0x0  }
0xa0: {  	[sflag:s22] =	ssyncadd.s32 s3;
	_ =	sdelay $0x1  }
0xa1: {  	s23 =	simm.s32 $0x1B8B  }
0xa2: {  	_ =	swait.ge [sflag:s23], $0x1  }
0xa3: {  	[sflag:s23] =	ssyncset.done $0x0  }
0xa4: {  	s25 =	simm.s32 $0x1B8E;
	s24 =	sld [smem:$0x3FFE];
	[sflag:s23] =	ssyncadd.s32 $0xFFFFFFFF  }
0xa5: {  	s26 =	simm.s32 $execute0_lowered;
	[smem:$0x3FD2] =	sst s25  }
0xa6: {  	s4 =	sshll.u32 s26, $0x1;
	_ =	strace $0x80000046;
	[dreg:$0x1] =	wrdreg $0xFFFFFFFF  }
0xa7: {  	s28 =	simm.s32 $_size_execute0_lowered;
	s2 =	sadd.s32 s2, s4;
	[dreg:$0x0] =	wrdreg $0x0  }
0xa8: {  	s4 =	sshll.u32 s28, $0x1;
	[dreg:$0x2] =	wrdreg s2  }
0xa9: {  	[dreg:$0x3] =	wrdreg s4  }
0xaa: {  	[dreg:$0x4] =	wrdreg $0xC0  }
0xab: {  	_ =	task [dreg:s6], $0x5FFFF  }
0xac: {  	[dreg:$0x1] =	wrdreg $0xFFFFFFFF  }
0xad: {  	[dreg:$0x0] =	wrdreg $0x60  }
0xae: {  	[dreg:$0x2] =	wrdreg s24  }
0xaf: {  	[dreg:$0x3] =	wrdreg $0x9  }
0xb0: {  	_ =	task.clear_ibuf [dreg:s6], $0x4FFFF;
	_ =	strace $0x90000046  }
0xb1: {  	s29 =	simm.s32 $0x9;
	_ =	strace $0x80000048  }
0xb2: {  	_ =	swait.ge [sflag:s29], $0x1  }
0xb3: {  	[sflag:s29] =	ssyncadd.s32 $0xFFFFFFFF  }
0xb4: {  	_ =	strace $0x90000048  }
0xb5: {  	_ =	sfence  }
0xb6: {  	s30 =	sld [smem:$0x0];
	_ =	sdelay $0x2  }
0xb7: {  	s31 =	sshll.u32 s1, $0xD;
	s1 =	sshrl.u32 s1, $0x2  }
0xb8: {  	s3 =	sand.u32 $0x4000, s31;
	s1 =	sadd.s32 s1, s30  }
0xb9: {  	s0 =	sor.u32 s3, s0;
	s1 =	sshll.u32 s1, $0x11  }
0xba: {  	s0 =	sor.u32 s1, s0  }
0xbb: {  	s0 =	sadd.s32 $0x8F2B, s0  }
0xbc: {  	[sflag:s0] =	ssyncadd.remote.s32 $0x1  }
0xbd: {  	_ =	sfence.sel $0xFFFF  }
0xbe: {  	[dreg:$0x0] =	wrdreg $0xFFFFFFFF;
	(pc) =	sbr.abs _section_cstart, $3  }
0xbf: {  	[dreg:$0x1] =	wrdreg $0xFFFFFFFF  }
0xc0: {  	_ =	task.clear_ibuf [dreg:s6], $0x2FFFF;
	_ =	strace $0x9FFFFFFF  }
0xc1: {  	(tm) =	ssettm $0x7FFFFFFF  }
tec
execute0_lowered:
.L_overlay_start_1:
0x0: {  	(tag) =	ssettag $0x1  }
0x1: {  	s3 =	rddreg [dreg:$0x0];
	s2 =	srdreg.scid  }
0x2: {  	s0 =	rddreg [dreg:$0x1];
	s1 =	stileid.u32;
	s7 =	simm.s32 $0x1  }
0x3: {  	s8 =	simm.s32 $0x8000;
	s9 =	simm.s32 $0x10000;
	s4 =	sand.u32 $0x1, s2  }
0x4: {  	s10 =	simm.s32 $0x0;
	s5 =	sshll.u32 s1, $0xD;
	s6 =	sshll.u32 s4, $0xC  }
0x5: {  	s2 =	simm.s32 $0x0;
	s4 =	ssub.s32 $0x2, s4;
	s5 =	sor.u32 s6, s5  }
0x6: {  	[smem:$0x7FF] =	sst s2;
	s30 =	sshrl.u32 s4, $0x1;
	s5 =	sadd.s32 s5, s3  }
0x7: {  	v0 =	vlaneseq.u32;
	_ =	strace $0x80000047;
	s31 =	ssub.s32 s4, s30;
	s3 =	sadd.s32 $0x2600, s5  }
0x8: {  	v0 =	vmul.u32 $0x80, v0;
	s4 =	sadd.s32 $0x22600, s5;
	s5 =	sadd.s32 $0x42600, s5;
	s6 =	smax.u32 s31, $0x1  }
.LBB2_1:
0x9: {  	[tilespmem:s2], [sflag:$0x1] =	stream.linear.gather [hbm4b:s3+s2], $0x8000, $0x38;
	[tilespmem:$0x18000] =	vst v63  }
0xa: {  	_ =	swait.ge [sflag:s7], $0x8000  }
0xb: {  	[sflag:s7] =	ssyncset.done $0x0  }
0xc: {  	s11 =	simm.s32 $0x0;
	[sflag:s7] =	ssyncadd.s32 $0xFFFF8000  }
.LBB2_2:
0xd: {  	s12 =	sshll.u32 s11, $0x4  }
0xe: {  	v1 =	vmov s12  }
0xf: {  	v1 =	vshll.u32 v1, $0x7  }
0x10: {  	v2 =	vor.u32 v0, v1;
	_ =	sdelay $0x4  }
0x11: {  	v6 =	vimm.f32 $-3.399999950e+38;
	v4 =	vimm.s32 $0x0;
	s12 =	simm.s32 $0x0;
	v1 =	vor.u32 $0x1, v2;
	v5 =	vld.idx.msk [tilespmem:v2+s2+$0x0], $0xffff  }
0x12: {  	s13 =	simm.s32 $0x1;
	v7 =	vimm.f32 $-3.399999950e+38;
	v3 =	vimm.s32 $0x0;
	v8 =	vadd.s32 s12, v1  }
.LBB2_3:
0x13: {  	_ = 	snop  }
0x14: {  	p0 =	sne.s32 s13, $0xF  }
.Ltmp0:
0x15: {  	_ = 	snop;
	(pc) =	sbr.rel @p0 .LBB2_3-.Ltmp0, $4  }
0x16: {  	vm0 =	vgt.f32 v5, v6;
	v9 =	vmov v5  }
0x17: {  	vm1 =	vgt.f32 v9, v7;
	v6 =	vsel vm0, v9, v6  }
0x18: {  	s14 =	smov.u32 s13;
	v5 =	vld.idx.msk [tilespmem:v8+s2+$0x0], $0xffff;
	v8 =	vadd.s32 s13, v1;
	v4 =	vsel vm0, s12, v4;
	v6 =	vsel vm1, v7, v6  }
0x19: {  	s13 =	sadd.s32 $0x1, s13;
	v4 =	vsel vm1, v3, v4;
	v7 =	vsel vm1, v9, v7;
	v3 =	vsel vm1, s12, v3;
	s12 =	smov.u32 s14  }
0x1a: {  	_ =	sdelay $0x2  }
0x1b: {  	vm0 =	vgt.f32 v5, v6  }
0x1c: {  	vm1 =	vgt.f32 v5, v7;
	v6 =	vsel vm0, v5, v6  }
0x1d: {  	v5 =	vsel vm1, v5, v7;
	v6 =	vsel vm1, v7, v6  }
0x1e: {  	v5 =	vsub.f32 v6, v5;
	_ =	sdelay $0x1  }
0x1f: {  	v5 =	vmul.f32 $1.442695020e+00, v5;
	_ =	sdelay $0x1  }
0x20: {  	(erf) = vpow2.f32 v5;
	_ =	sdelay $0x8  }
0x21: {  	v6 =	vpop (erf)  }
0x22: {  	v5 =	vadd.f32 $1.000000000e+00, v6;
	_ =	sdelay $0x1  }
0x23: {  	(erf) = vrcp.f32 v5;
	_ =	sdelay $0x7  }
0x24: {  	s13 =	simm.s32 $0x0  }
0x25: {  	v4 =	vsel vm0, s12, v4;
	v7 =	vadd.s32 s13, v2;
	v5 =	vpop (erf)  }
0x26: {  	v4 =	vsel vm1, v3, v4;
	v6 =	vmul.f32 v5, v6  }
0x27: {  	v3 =	vsel vm1, s12, v3;
	vm15 =	veq.s32 v4, s13  }
0x28: {  	vm1 =	veq.s32 v3, s13;
	v8 =	vnsel vm15, $0x0, v6  }
0x29: {  	s12 =	simm.s32 $0x1;
	v8 =	vsel vm1, v5, v8  }
.LBB2_5:
0x2a: {  	p0 =	sne.s32 s12, $0xF;
	[tilespmem:v7+s8+$0x0] =	vst.idx.msk $0xffff, v8;
	s13 =	smov.u32 s12;
	s12 =	sadd.s32 $0x1, s12  }
.Ltmp1:
0x2b: {  	v7 =	vadd.s32 s13, v2;
	(pc) =	sbr.rel @p0 .LBB2_5-.Ltmp1, $4  }
0x2c: {  	_ = 	snop  }
0x2d: {  	vm0 =	veq.s32 v4, s13  }
0x2e: {  	vm1 =	veq.s32 v3, s13;
	v8 =	vnsel vm0, $0x0, v6  }
0x2f: {  	v8 =	vsel vm1, v5, v8  }
0x30: {  	s11 =	sadd.s32 $0x1, s11  }
0x31: {  	p0 =	sne.s32 s11, $0x10  }
.Ltmp2:
0x32: {  	_ = 	snop;
	(pc) =	sbr.rel @p0 .LBB2_2-.Ltmp2, $4  }
0x33: {  	_ = 	snop  }
0x34: {  	[tilespmem:v7+s8+$0x0] =	vst.idx.msk $0xffff, v8  }
0x35: {  	[tilespmem:v2+s9+$0x0] =	vst.idx.msk $0xffff, v3  }
0x36: {  	[tilespmem:v1+s9+$0x0] =	vst.idx.msk $0xffff, v4  }
0x37: {  	[hbm4b:s4+s2] =	stream.linear.scatter [tilespmem:s8], [sflag:$0x1], $0x8000, $0x38;
	[tilespmem:$0x18000] =	vst v63  }
0x38: {  	s10 =	sadd.s32 $0x1, s10;
	_ =	swait.ge [sflag:s7], $0x8000  }
0x39: {  	p0 =	sne.s32 s10, s6;
	[sflag:s7] =	ssyncset.done $0x0  }
.Ltmp3:
0x3a: {  	[sflag:s7] =	ssyncadd.s32 $0xFFFF8000;
	(pc) =	sbr.rel @p0 .LBB2_1-.Ltmp3, $4  }
0x3b: {  	[hbm4b:s5+s2] =	stream.linear.scatter [tilespmem:s9], [sflag:$0x1], $0x8000, $0x38;
	[tilespmem:$0x18000] =	vst v63  }
0x3c: {  	_ =	swait.ge [sflag:s7], $0x8000  }
0x3d: {  	[sflag:s7] =	ssyncset.done $0x0  }
0x3e: {  	[sflag:s7] =	ssyncadd.s32 $0xFFFF8000  }
0x3f: {  	_ =	sfence.sel $0x180000  }
0x40: {  	[bflag:$0x0] =	sbarrier.arrive $0xFFFF  }
0x41: {  	p0 =	sne.s32 s1, $0x0;
	_ =	strace $0x90000047  }
0x42: {  	s0 =	sadd.s32 @!p0 $0x100000, s0;
	[bflag:$0x2] =	sbarrier.arrive $0xFFFF  }
0x43: {  	[sflag:s0] =	ssyncadd.tile.s32 @!p0 $0x1;
	_ =	shalt  }
.Lfunc_end2:
_tile_overlayer_lowered:
.L_overlay_start_2:
0x44: {  	(tag) =	ssettag $0x2  }
0x45: {  	s0 =	rddreg [dreg:$0x0];
	s2 =	stileid.u32  }
0x46: {  	s1 =	rddreg [dreg:$0x1];
	p0 =	sne.s32 s2, $0x0  }
0x47: {  	s3 =	rddreg [dreg:$0x2];
	[bflag:$0x3] =	sbarrier.arrive $0xFFFF;
	s2 =	simm.s32 @!p0 $0x1C01  }
0x48: {  	[timem:s3], [sflag:s2] =	dma.local @!p0 [hbm:s0], s1  }
0x49: {  	s0 =	simm.s32 @!p0 $0x1  }
0x4a: {  	_ =	swait.ge @!p0 [sflag:s0], s1  }
0x4b: {  	s1 =	ssub.s32 @!p0 $0x0, s1;
	[sflag:s0] =	ssyncset.done @!p0 $0x0  }
0x4c: {  	[sflag:s0] =	ssyncadd.s32 @!p0 s1  }
0x4d: {  	[bflag:$0x3] =	sbarrier.arrive $0xFFFF  }
0x4e: {  	_ =	shalt  }

</sc_bundles>
